<compile_context>
chip_gen: v7x
topology: tpu7x:2x2x1
jax: 0.10.2.dev20260603
libtpu: 0.0.44.dev20260713+nightly
codegen_flags: <defaults>
</compile_context>

<pallas_src>
import functools

import jax
import jax.numpy as jnp
from jax import lax
from jax.experimental import pallas as pl
from jax.experimental.pallas import tpu as pltpu
from jax.experimental.pallas import tpu_sc as plsc

_D_MODEL = 2048
_CHUNK = 8
_NBUF = 4


def _sc_gather(table, idx, n_tokens):
    info = plsc.get_sparse_core_info()
    nc, ns = info.num_cores, info.num_subcores
    nw = nc * ns
    per_w = n_tokens // nw
    nchunks = per_w // _CHUNK

    mesh = plsc.VectorSubcoreMesh(core_axis_name="c", subcore_axis_name="s")

    @functools.partial(
        pl.kernel,
        out_type=jax.ShapeDtypeStruct((n_tokens, _D_MODEL), jnp.float32),
        mesh=mesh,
        scratch_types=[
            pltpu.VMEM((per_w,), jnp.int32),
        ]
        + [pltpu.VMEM((_CHUNK, _D_MODEL), jnp.float32)] * _NBUF
        + [pltpu.SemaphoreType.DMA] * (2 * _NBUF),
    )
    def body(table_hbm, idx_hbm, out_hbm, idx_v, *bufs_sems):
        rows = bufs_sems[:_NBUF]
        gsem = bufs_sems[_NBUF : 2 * _NBUF]
        osem = bufs_sems[2 * _NBUF :]

        wid = lax.axis_index("s") * nc + lax.axis_index("c")
        base = wid * per_w
        pltpu.sync_copy(idx_hbm.at[pl.ds(base, per_w)], idx_v)

        def gather_start(chunk, b):
            pltpu.async_copy(
                table_hbm.at[idx_v.at[pl.ds(chunk * _CHUNK, _CHUNK)]],
                rows[b],
                gsem[b],
            )

        def gather_wait(b):
            pltpu.make_async_copy(
                table_hbm.at[idx_v.at[pl.ds(0, _CHUNK)]], rows[b], gsem[b]
            ).wait()

        def out_start(chunk, b):
            pltpu.async_copy(
                rows[b], out_hbm.at[pl.ds(base + chunk * _CHUNK, _CHUNK)], osem[b]
            )

        def out_wait(b):
            pltpu.make_async_copy(
                rows[b], out_hbm.at[pl.ds(base, _CHUNK)], osem[b]
            ).wait()

        gather_start(0, 0)
        gather_start(1, 1)

        def outer(t, carry):
            for j in range(_NBUF):
                i = _NBUF * t + j
                gather_wait(j)
                bg = (j + 2) % _NBUF

                @pl.when(i + 2 < nchunks)
                def _():
                    @pl.when(i >= 2)
                    def _():
                        out_wait(bg)

                    gather_start(i + 2, bg)

                out_start(i, j)
            return carry

        lax.fori_loop(0, nchunks // _NBUF, outer, 0)
        for b in range(_NBUF):
            out_wait(b)

    return body(table, idx)


def kernel(input_ids, embed_table):
    b, s = input_ids.shape
    idx = input_ids.reshape(-1).astype(jnp.int32)
    flat = _sc_gather(embed_table, idx, b * s)
    return flat.reshape(b, s, _D_MODEL)

# --- scband reference (transcript-rebuilt; emitter-appended) ---
"""Pipeline reference for scband-stage0-50388556316711 (READ-ONLY COPY).

The authoritative reference and input builder live on the scoring server;
editing this copy changes nothing except your own understanding.
"""

import jax, jax.numpy as jnp
import numpy as np

VOCAB = 100000
D_MODEL = 2048
B = 4
S = 8192

def setup_inputs(seed: int = 0) -> dict:
    key = jax.random.key(seed)
    k1, k2 = jax.random.split(key)
    input_ids = jax.random.randint(k1, (B, S), 0, VOCAB, dtype=jnp.int64 if jax.config.jax_enable_x64 else jnp.int32)
    embed_table = jax.random.normal(k2, (VOCAB, D_MODEL), dtype=jnp.float32) * 0.02
    return {"input_ids": input_ids, "embed_table": embed_table}

def reference(input_ids, embed_table):
    # Stage0 forward with audio_inputs=None and vision_inputs=None reduces to
    # text_emb = self.embed_tokens(input_ids); pack_modalities returns it unchanged.
    text_emb = jnp.take(embed_table, input_ids, axis=0)  # [B, S, D]
    return text_emb

if __name__ == "__main__":
    import jax
    _d = setup_inputs()
    print(jax.jit(kernel)(*tuple(_d.values())))

</pallas_src>

<mosaic_0001>
#map = affine_map<(d0, d1) -> (0, 0)>
#map1 = affine_map<(d0, d1) -> (0)>
module attributes {stable_mosaic.version = 14 : i64} {
  func.func @body(%arg0: i32, %arg1: i32, %arg2: memref<100000x2048xf32, #tpu.memory_space<hbm>>, %arg3: memref<32768xi32, #tpu.memory_space<hbm>>, %arg4: memref<32768x2048xf32, #tpu.memory_space<hbm>>, %arg5: memref<1024xi32, #tpu.memory_space<vmem>>, %arg6: memref<8x2048xf32, #tpu.memory_space<vmem>>, %arg7: memref<8x2048xf32, #tpu.memory_space<vmem>>, %arg8: memref<8x2048xf32, #tpu.memory_space<vmem>>, %arg9: memref<8x2048xf32, #tpu.memory_space<vmem>>, %arg10: memref<!tpu.dma_semaphore, #tpu.memory_space<semaphore_mem>>, %arg11: memref<!tpu.dma_semaphore, #tpu.memory_space<semaphore_mem>>, %arg12: memref<!tpu.dma_semaphore, #tpu.memory_space<semaphore_mem>>, %arg13: memref<!tpu.dma_semaphore, #tpu.memory_space<semaphore_mem>>, %arg14: memref<!tpu.dma_semaphore, #tpu.memory_space<semaphore_mem>>, %arg15: memref<!tpu.dma_semaphore, #tpu.memory_space<semaphore_mem>>, %arg16: memref<!tpu.dma_semaphore, #tpu.memory_space<semaphore_mem>>, %arg17: memref<!tpu.dma_semaphore, #tpu.memory_space<semaphore_mem>>) attributes {dimension_semantics = [#tpu.dimension_semantics<core_parallel>, #tpu.dimension_semantics<subcore_parallel>], iteration_bounds = array<i64: 2, 16>, scalar_prefetch = 0 : i64, scratch_operands = 13 : i64, tpu.core_type = #tpu.core_type<sc_vector_subcore>, window_params = [{transform_indices = #map}, {transform_indices = #map1}, {transform_indices = #map}]} {
    %mul3A = arith.constant 2 : i32
    %mul3A_0 = arith.muli %arg1, %mul3A : i32
    %add3A = arith.addi %mul3A_0, %arg0 : i32
    %mul3A_1 = arith.constant 1024 : i32
    %mul3A_2 = arith.muli %add3A, %mul3A_1 : i32
    "tpu.region"() ({
      %run_scoped3A = tpu.sem_alloc : memref<!tpu.dma_semaphore, #tpu.memory_space<semaphore_mem>>
      %dma_start3A_32 = tpu.memref_slice %arg3[%mul3A_2] : memref<32768xi32, #tpu.memory_space<hbm>> -> memref<1024xi32, #tpu.memory_space<hbm>>
      %dma_start3A_33 = tpu.memref_slice %arg3[%mul3A_2] : memref<32768xi32, #tpu.memory_space<hbm>> -> memref<1024xi32, #tpu.memory_space<hbm>>
      tpu.enqueue_dma source(%dma_start3A_33 : memref<1024xi32, #tpu.memory_space<hbm>>) target(%arg5 : memref<1024xi32, #tpu.memory_space<vmem>>) target_semaphore(%run_scoped3A : memref<!tpu.dma_semaphore, #tpu.memory_space<semaphore_mem>>)
      %dma_wait3A_34 = tpu.memref_slice %arg3[%mul3A_2] : memref<32768xi32, #tpu.memory_space<hbm>> -> memref<1024xi32, #tpu.memory_space<hbm>>
      %dma_wait3A_35 = tpu.memref_slice %arg3[%mul3A_2] : memref<32768xi32, #tpu.memory_space<hbm>> -> memref<1024xi32, #tpu.memory_space<hbm>>
      tpu.wait_dma2 semaphore(%run_scoped3A : memref<!tpu.dma_semaphore, #tpu.memory_space<semaphore_mem>>) src(%dma_wait3A_35 : memref<1024xi32, #tpu.memory_space<hbm>>) dst(%arg5 : memref<1024xi32, #tpu.memory_space<vmem>>)
      tpu.yield
    }) : () -> ()
    %dma_start3A = arith.constant 0 : i32
    %dma_start3A_3 = tpu.memref_slice %arg5[%dma_start3A] : memref<1024xi32, #tpu.memory_space<vmem>> -> memref<8xi32, #tpu.memory_space<vmem>>
    %dma_start3A_4 = arith.constant 0 : i32
    %dma_start3A_5 = arith.constant 0 : i32
    %dma_start3A_6 = tpu.memref_slice %arg2[%dma_start3A_4, %dma_start3A_5] : memref<100000x2048xf32, #tpu.memory_space<hbm>> -> memref<100000x2048xf32, #tpu.memory_space<hbm>>
    tpu.enqueue_indirect_dma source(%dma_start3A_6 : memref<100000x2048xf32, #tpu.memory_space<hbm>>) target(%arg6 : memref<8x2048xf32, #tpu.memory_space<vmem>>) offsets(%dma_start3A_3 : memref<8xi32, #tpu.memory_space<vmem>>) semaphore(%arg10 : memref<!tpu.dma_semaphore, #tpu.memory_space<semaphore_mem>>)
    %dma_start3A_7 = arith.constant 8 : i32
    %dma_start3A_8 = tpu.memref_slice %arg5[%dma_start3A_7] : memref<1024xi32, #tpu.memory_space<vmem>> -> memref<8xi32, #tpu.memory_space<vmem>>
    %dma_start3A_9 = arith.constant 0 : i32
    %dma_start3A_10 = arith.constant 0 : i32
    %dma_start3A_11 = tpu.memref_slice %arg2[%dma_start3A_9, %dma_start3A_10] : memref<100000x2048xf32, #tpu.memory_space<hbm>> -> memref<100000x2048xf32, #tpu.memory_space<hbm>>
    tpu.enqueue_indirect_dma source(%dma_start3A_11 : memref<100000x2048xf32, #tpu.memory_space<hbm>>) target(%arg7 : memref<8x2048xf32, #tpu.memory_space<vmem>>) offsets(%dma_start3A_8 : memref<8xi32, #tpu.memory_space<vmem>>) semaphore(%arg11 : memref<!tpu.dma_semaphore, #tpu.memory_space<semaphore_mem>>)
    %scan3A = arith.constant 0 : i32
    %scan3A_12 = arith.constant 0 : i32
    %scan3A_13 = arith.constant 32 : i32
    %scan3A_14 = arith.addi %scan3A_12, %scan3A_13 : i32
    %scan3A_15 = arith.constant 1 : i32
    scf.for %scan3A_32 = %scan3A_12 to %scan3A_14 step %scan3A_15  : i32 {
      %mul3A_33 = arith.constant 4 : i32
      %mul3A_34 = arith.muli %mul3A_33, %scan3A_32 : i32
      %add3A_35 = arith.constant 0 : i32
      %add3A_36 = arith.addi %mul3A_34, %add3A_35 : i32
      %dma_wait3A_37 = arith.constant 0 : i32
      %dma_wait3A_38 = tpu.memref_slice %arg5[%dma_wait3A_37] : memref<1024xi32, #tpu.memory_space<vmem>> -> memref<8xi32, #tpu.memory_space<vmem>>
      %dma_wait3A_39 = arith.constant 0 : i32
      %dma_wait3A_40 = arith.constant 0 : i32
      %dma_wait3A_41 = tpu.memref_slice %arg2[%dma_wait3A_39, %dma_wait3A_40] : memref<100000x2048xf32, #tpu.memory_space<hbm>> -> memref<100000x2048xf32, #tpu.memory_space<hbm>>
      tpu.wait_indirect_dma semaphore(%arg10 : memref<!tpu.dma_semaphore, #tpu.memory_space<semaphore_mem>>) src(%dma_wait3A_41 : memref<100000x2048xf32, #tpu.memory_space<hbm>>) dst(%arg6 : memref<8x2048xf32, #tpu.memory_space<vmem>>)
      %add3A_42 = arith.constant 2 : i32
      %add3A_43 = arith.addi %add3A_36, %add3A_42 : i32
      %lt3A = arith.constant 128 : i32
      %lt3A_44 = arith.cmpi slt, %add3A_43, %lt3A : i32
      %convert_element_type3A = arith.extui %lt3A_44 : i1 to i32
      %cond3A = arith.constant 0 : i32
      %cond3A_45 = arith.cmpi ne, %convert_element_type3A, %cond3A : i32
      scf.if %cond3A_45 {
        %ge3A = arith.constant 2 : i32
        %ge3A_122 = arith.cmpi sge, %add3A_36, %ge3A : i32
        %convert_element_type3A_123 = arith.extui %ge3A_122 : i1 to i32
        %cond3A_124 = arith.constant 0 : i32
        %cond3A_125 = arith.cmpi ne, %convert_element_type3A_123, %cond3A_124 : i32
        scf.if %cond3A_125 {
          %dma_wait3A_134 = arith.constant 0 : i32
          %dma_wait3A_135 = tpu.memref_slice %arg4[%mul3A_2, %dma_wait3A_134] : memref<32768x2048xf32, #tpu.memory_space<hbm>> -> memref<8x2048xf32, #tpu.memory_space<hbm>>
          %dma_wait3A_136 = arith.constant 0 : i32
          %dma_wait3A_137 = tpu.memref_slice %arg4[%mul3A_2, %dma_wait3A_136] : memref<32768x2048xf32, #tpu.memory_space<hbm>> -> memref<8x2048xf32, #tpu.memory_space<hbm>>
          tpu.wait_dma2 semaphore(%arg16 : memref<!tpu.dma_semaphore, #tpu.memory_space<semaphore_mem>>) src(%arg8 : memref<8x2048xf32, #tpu.memory_space<vmem>>) dst(%dma_wait3A_137 : memref<8x2048xf32, #tpu.memory_space<hbm>>)
        } else {
        }
        %add3A_126 = arith.constant 2 : i32
        %add3A_127 = arith.addi %add3A_36, %add3A_126 : i32
        %mul3A_128 = arith.constant 8 : i32
        %mul3A_129 = arith.muli %add3A_127, %mul3A_128 : i32
        %dma_start3A_130 = tpu.memref_slice %arg5[%mul3A_129] : memref<1024xi32, #tpu.memory_space<vmem>> -> memref<8xi32, #tpu.memory_space<vmem>>
        %dma_start3A_131 = arith.constant 0 : i32
        %dma_start3A_132 = arith.constant 0 : i32
        %dma_start3A_133 = tpu.memref_slice %arg2[%dma_start3A_131, %dma_start3A_132] : memref<100000x2048xf32, #tpu.memory_space<hbm>> -> memref<100000x2048xf32, #tpu.memory_space<hbm>>
        tpu.enqueue_indirect_dma source(%dma_start3A_133 : memref<100000x2048xf32, #tpu.memory_space<hbm>>) target(%arg8 : memref<8x2048xf32, #tpu.memory_space<vmem>>) offsets(%dma_start3A_130 : memref<8xi32, #tpu.memory_space<vmem>>) semaphore(%arg12 : memref<!tpu.dma_semaphore, #tpu.memory_space<semaphore_mem>>)
      } else {
      }
      %mul3A_46 = arith.constant 8 : i32
      %mul3A_47 = arith.muli %add3A_36, %mul3A_46 : i32
      %add3A_48 = arith.addi %mul3A_2, %mul3A_47 : i32
      %dma_start3A_49 = arith.constant 0 : i32
      %dma_start3A_50 = tpu.memref_slice %arg4[%add3A_48, %dma_start3A_49] : memref<32768x2048xf32, #tpu.memory_space<hbm>> -> memref<8x2048xf32, #tpu.memory_space<hbm>>
      %dma_start3A_51 = arith.constant 0 : i32
      %dma_start3A_52 = tpu.memref_slice %arg4[%add3A_48, %dma_start3A_51] : memref<32768x2048xf32, #tpu.memory_space<hbm>> -> memref<8x2048xf32, #tpu.memory_space<hbm>>
      tpu.enqueue_dma source(%arg6 : memref<8x2048xf32, #tpu.memory_space<vmem>>) target(%dma_start3A_52 : memref<8x2048xf32, #tpu.memory_space<hbm>>) target_semaphore(%arg14 : memref<!tpu.dma_semaphore, #tpu.memory_space<semaphore_mem>>)
      %mul3A_53 = arith.constant 4 : i32
      %mul3A_54 = arith.muli %mul3A_53, %scan3A_32 : i32
      %add3A_55 = arith.constant 1 : i32
      %add3A_56 = arith.addi %mul3A_54, %add3A_55 : i32
      %dma_wait3A_57 = arith.constant 0 : i32
      %dma_wait3A_58 = tpu.memref_slice %arg5[%dma_wait3A_57] : memref<1024xi32, #tpu.memory_space<vmem>> -> memref<8xi32, #tpu.memory_space<vmem>>
      %dma_wait3A_59 = arith.constant 0 : i32
      %dma_wait3A_60 = arith.constant 0 : i32
      %dma_wait3A_61 = tpu.memref_slice %arg2[%dma_wait3A_59, %dma_wait3A_60] : memref<100000x2048xf32, #tpu.memory_space<hbm>> -> memref<100000x2048xf32, #tpu.memory_space<hbm>>
      tpu.wait_indirect_dma semaphore(%arg11 : memref<!tpu.dma_semaphore, #tpu.memory_space<semaphore_mem>>) src(%dma_wait3A_61 : memref<100000x2048xf32, #tpu.memory_space<hbm>>) dst(%arg7 : memref<8x2048xf32, #tpu.memory_space<vmem>>)
      %add3A_62 = arith.constant 2 : i32
      %add3A_63 = arith.addi %add3A_56, %add3A_62 : i32
      %lt3A_64 = arith.constant 128 : i32
      %lt3A_65 = arith.cmpi slt, %add3A_63, %lt3A_64 : i32
      %convert_element_type3A_66 = arith.extui %lt3A_65 : i1 to i32
      %cond3A_67 = arith.constant 0 : i32
      %cond3A_68 = arith.cmpi ne, %convert_element_type3A_66, %cond3A_67 : i32
      scf.if %cond3A_68 {
        %ge3A = arith.constant 2 : i32
        %ge3A_122 = arith.cmpi sge, %add3A_56, %ge3A : i32
        %convert_element_type3A_123 = arith.extui %ge3A_122 : i1 to i32
        %cond3A_124 = arith.constant 0 : i32
        %cond3A_125 = arith.cmpi ne, %convert_element_type3A_123, %cond3A_124 : i32
        scf.if %cond3A_125 {
          %dma_wait3A_134 = arith.constant 0 : i32
          %dma_wait3A_135 = tpu.memref_slice %arg4[%mul3A_2, %dma_wait3A_134] : memref<32768x2048xf32, #tpu.memory_space<hbm>> -> memref<8x2048xf32, #tpu.memory_space<hbm>>
          %dma_wait3A_136 = arith.constant 0 : i32
          %dma_wait3A_137 = tpu.memref_slice %arg4[%mul3A_2, %dma_wait3A_136] : memref<32768x2048xf32, #tpu.memory_space<hbm>> -> memref<8x2048xf32, #tpu.memory_space<hbm>>
          tpu.wait_dma2 semaphore(%arg17 : memref<!tpu.dma_semaphore, #tpu.memory_space<semaphore_mem>>) src(%arg9 : memref<8x2048xf32, #tpu.memory_space<vmem>>) dst(%dma_wait3A_137 : memref<8x2048xf32, #tpu.memory_space<hbm>>)
        } else {
        }
        %add3A_126 = arith.constant 2 : i32
        %add3A_127 = arith.addi %add3A_56, %add3A_126 : i32
        %mul3A_128 = arith.constant 8 : i32
        %mul3A_129 = arith.muli %add3A_127, %mul3A_128 : i32
        %dma_start3A_130 = tpu.memref_slice %arg5[%mul3A_129] : memref<1024xi32, #tpu.memory_space<vmem>> -> memref<8xi32, #tpu.memory_space<vmem>>
        %dma_start3A_131 = arith.constant 0 : i32
        %dma_start3A_132 = arith.constant 0 : i32
        %dma_start3A_133 = tpu.memref_slice %arg2[%dma_start3A_131, %dma_start3A_132] : memref<100000x2048xf32, #tpu.memory_space<hbm>> -> memref<100000x2048xf32, #tpu.memory_space<hbm>>
        tpu.enqueue_indirect_dma source(%dma_start3A_133 : memref<100000x2048xf32, #tpu.memory_space<hbm>>) target(%arg9 : memref<8x2048xf32, #tpu.memory_space<vmem>>) offsets(%dma_start3A_130 : memref<8xi32, #tpu.memory_space<vmem>>) semaphore(%arg13 : memref<!tpu.dma_semaphore, #tpu.memory_space<semaphore_mem>>)
      } else {
      }
      %mul3A_69 = arith.constant 8 : i32
      %mul3A_70 = arith.muli %add3A_56, %mul3A_69 : i32
      %add3A_71 = arith.addi %mul3A_2, %mul3A_70 : i32
      %dma_start3A_72 = arith.constant 0 : i32
      %dma_start3A_73 = tpu.memref_slice %arg4[%add3A_71, %dma_start3A_72] : memref<32768x2048xf32, #tpu.memory_space<hbm>> -> memref<8x2048xf32, #tpu.memory_space<hbm>>
      %dma_start3A_74 = arith.constant 0 : i32
      %dma_start3A_75 = tpu.memref_slice %arg4[%add3A_71, %dma_start3A_74] : memref<32768x2048xf32, #tpu.memory_space<hbm>> -> memref<8x2048xf32, #tpu.memory_space<hbm>>
      tpu.enqueue_dma source(%arg7 : memref<8x2048xf32, #tpu.memory_space<vmem>>) target(%dma_start3A_75 : memref<8x2048xf32, #tpu.memory_space<hbm>>) target_semaphore(%arg15 : memref<!tpu.dma_semaphore, #tpu.memory_space<semaphore_mem>>)
      %mul3A_76 = arith.constant 4 : i32
      %mul3A_77 = arith.muli %mul3A_76, %scan3A_32 : i32
      %add3A_78 = arith.constant 2 : i32
      %add3A_79 = arith.addi %mul3A_77, %add3A_78 : i32
      %dma_wait3A_80 = arith.constant 0 : i32
      %dma_wait3A_81 = tpu.memref_slice %arg5[%dma_wait3A_80] : memref<1024xi32, #tpu.memory_space<vmem>> -> memref<8xi32, #tpu.memory_space<vmem>>
      %dma_wait3A_82 = arith.constant 0 : i32
      %dma_wait3A_83 = arith.constant 0 : i32
      %dma_wait3A_84 = tpu.memref_slice %arg2[%dma_wait3A_82, %dma_wait3A_83] : memref<100000x2048xf32, #tpu.memory_space<hbm>> -> memref<100000x2048xf32, #tpu.memory_space<hbm>>
      tpu.wait_indirect_dma semaphore(%arg12 : memref<!tpu.dma_semaphore, #tpu.memory_space<semaphore_mem>>) src(%dma_wait3A_84 : memref<100000x2048xf32, #tpu.memory_space<hbm>>) dst(%arg8 : memref<8x2048xf32, #tpu.memory_space<vmem>>)
      %add3A_85 = arith.constant 2 : i32
      %add3A_86 = arith.addi %add3A_79, %add3A_85 : i32
      %lt3A_87 = arith.constant 128 : i32
      %lt3A_88 = arith.cmpi slt, %add3A_86, %lt3A_87 : i32
      %convert_element_type3A_89 = arith.extui %lt3A_88 : i1 to i32
      %cond3A_90 = arith.constant 0 : i32
      %cond3A_91 = arith.cmpi ne, %convert_element_type3A_89, %cond3A_90 : i32
      scf.if %cond3A_91 {
        %ge3A = arith.constant 2 : i32
        %ge3A_122 = arith.cmpi sge, %add3A_79, %ge3A : i32
        %convert_element_type3A_123 = arith.extui %ge3A_122 : i1 to i32
        %cond3A_124 = arith.constant 0 : i32
        %cond3A_125 = arith.cmpi ne, %convert_element_type3A_123, %cond3A_124 : i32
        scf.if %cond3A_125 {
          %dma_wait3A_134 = arith.constant 0 : i32
          %dma_wait3A_135 = tpu.memref_slice %arg4[%mul3A_2, %dma_wait3A_134] : memref<32768x2048xf32, #tpu.memory_space<hbm>> -> memref<8x2048xf32, #tpu.memory_space<hbm>>
          %dma_wait3A_136 = arith.constant 0 : i32
          %dma_wait3A_137 = tpu.memref_slice %arg4[%mul3A_2, %dma_wait3A_136] : memref<32768x2048xf32, #tpu.memory_space<hbm>> -> memref<8x2048xf32, #tpu.memory_space<hbm>>
          tpu.wait_dma2 semaphore(%arg14 : memref<!tpu.dma_semaphore, #tpu.memory_space<semaphore_mem>>) src(%arg6 : memref<8x2048xf32, #tpu.memory_space<vmem>>) dst(%dma_wait3A_137 : memref<8x2048xf32, #tpu.memory_space<hbm>>)
        } else {
        }
        %add3A_126 = arith.constant 2 : i32
        %add3A_127 = arith.addi %add3A_79, %add3A_126 : i32
        %mul3A_128 = arith.constant 8 : i32
        %mul3A_129 = arith.muli %add3A_127, %mul3A_128 : i32
        %dma_start3A_130 = tpu.memref_slice %arg5[%mul3A_129] : memref<1024xi32, #tpu.memory_space<vmem>> -> memref<8xi32, #tpu.memory_space<vmem>>
        %dma_start3A_131 = arith.constant 0 : i32
        %dma_start3A_132 = arith.constant 0 : i32
        %dma_start3A_133 = tpu.memref_slice %arg2[%dma_start3A_131, %dma_start3A_132] : memref<100000x2048xf32, #tpu.memory_space<hbm>> -> memref<100000x2048xf32, #tpu.memory_space<hbm>>
        tpu.enqueue_indirect_dma source(%dma_start3A_133 : memref<100000x2048xf32, #tpu.memory_space<hbm>>) target(%arg6 : memref<8x2048xf32, #tpu.memory_space<vmem>>) offsets(%dma_start3A_130 : memref<8xi32, #tpu.memory_space<vmem>>) semaphore(%arg10 : memref<!tpu.dma_semaphore, #tpu.memory_space<semaphore_mem>>)
      } else {
      }
      %mul3A_92 = arith.constant 8 : i32
      %mul3A_93 = arith.muli %add3A_79, %mul3A_92 : i32
      %add3A_94 = arith.addi %mul3A_2, %mul3A_93 : i32
      %dma_start3A_95 = arith.constant 0 : i32
      %dma_start3A_96 = tpu.memref_slice %arg4[%add3A_94, %dma_start3A_95] : memref<32768x2048xf32, #tpu.memory_space<hbm>> -> memref<8x2048xf32, #tpu.memory_space<hbm>>
      %dma_start3A_97 = arith.constant 0 : i32
      %dma_start3A_98 = tpu.memref_slice %arg4[%add3A_94, %dma_start3A_97] : memref<32768x2048xf32, #tpu.memory_space<hbm>> -> memref<8x2048xf32, #tpu.memory_space<hbm>>
      tpu.enqueue_dma source(%arg8 : memref<8x2048xf32, #tpu.memory_space<vmem>>) target(%dma_start3A_98 : memref<8x2048xf32, #tpu.memory_space<hbm>>) target_semaphore(%arg16 : memref<!tpu.dma_semaphore, #tpu.memory_space<semaphore_mem>>)
      %mul3A_99 = arith.constant 4 : i32
      %mul3A_100 = arith.muli %mul3A_99, %scan3A_32 : i32
      %add3A_101 = arith.constant 3 : i32
      %add3A_102 = arith.addi %mul3A_100, %add3A_101 : i32
      %dma_wait3A_103 = arith.constant 0 : i32
      %dma_wait3A_104 = tpu.memref_slice %arg5[%dma_wait3A_103] : memref<1024xi32, #tpu.memory_space<vmem>> -> memref<8xi32, #tpu.memory_space<vmem>>
      %dma_wait3A_105 = arith.constant 0 : i32
      %dma_wait3A_106 = arith.constant 0 : i32
      %dma_wait3A_107 = tpu.memref_slice %arg2[%dma_wait3A_105, %dma_wait3A_106] : memref<100000x2048xf32, #tpu.memory_space<hbm>> -> memref<100000x2048xf32, #tpu.memory_space<hbm>>
      tpu.wait_indirect_dma semaphore(%arg13 : memref<!tpu.dma_semaphore, #tpu.memory_space<semaphore_mem>>) src(%dma_wait3A_107 : memref<100000x2048xf32, #tpu.memory_space<hbm>>) dst(%arg9 : memref<8x2048xf32, #tpu.memory_space<vmem>>)
      %add3A_108 = arith.constant 2 : i32
      %add3A_109 = arith.addi %add3A_102, %add3A_108 : i32
      %lt3A_110 = arith.constant 128 : i32
      %lt3A_111 = arith.cmpi slt, %add3A_109, %lt3A_110 : i32
      %convert_element_type3A_112 = arith.extui %lt3A_111 : i1 to i32
      %cond3A_113 = arith.constant 0 : i32
      %cond3A_114 = arith.cmpi ne, %convert_element_type3A_112, %cond3A_113 : i32
      scf.if %cond3A_114 {
        %ge3A = arith.constant 2 : i32
        %ge3A_122 = arith.cmpi sge, %add3A_102, %ge3A : i32
        %convert_element_type3A_123 = arith.extui %ge3A_122 : i1 to i32
        %cond3A_124 = arith.constant 0 : i32
        %cond3A_125 = arith.cmpi ne, %convert_element_type3A_123, %cond3A_124 : i32
        scf.if %cond3A_125 {
          %dma_wait3A_134 = arith.constant 0 : i32
          %dma_wait3A_135 = tpu.memref_slice %arg4[%mul3A_2, %dma_wait3A_134] : memref<32768x2048xf32, #tpu.memory_space<hbm>> -> memref<8x2048xf32, #tpu.memory_space<hbm>>
          %dma_wait3A_136 = arith.constant 0 : i32
          %dma_wait3A_137 = tpu.memref_slice %arg4[%mul3A_2, %dma_wait3A_136] : memref<32768x2048xf32, #tpu.memory_space<hbm>> -> memref<8x2048xf32, #tpu.memory_space<hbm>>
          tpu.wait_dma2 semaphore(%arg15 : memref<!tpu.dma_semaphore, #tpu.memory_space<semaphore_mem>>) src(%arg7 : memref<8x2048xf32, #tpu.memory_space<vmem>>) dst(%dma_wait3A_137 : memref<8x2048xf32, #tpu.memory_space<hbm>>)
        } else {
        }
        %add3A_126 = arith.constant 2 : i32
        %add3A_127 = arith.addi %add3A_102, %add3A_126 : i32
        %mul3A_128 = arith.constant 8 : i32
        %mul3A_129 = arith.muli %add3A_127, %mul3A_128 : i32
        %dma_start3A_130 = tpu.memref_slice %arg5[%mul3A_129] : memref<1024xi32, #tpu.memory_space<vmem>> -> memref<8xi32, #tpu.memory_space<vmem>>
        %dma_start3A_131 = arith.constant 0 : i32
        %dma_start3A_132 = arith.constant 0 : i32
        %dma_start3A_133 = tpu.memref_slice %arg2[%dma_start3A_131, %dma_start3A_132] : memref<100000x2048xf32, #tpu.memory_space<hbm>> -> memref<100000x2048xf32, #tpu.memory_space<hbm>>
        tpu.enqueue_indirect_dma source(%dma_start3A_133 : memref<100000x2048xf32, #tpu.memory_space<hbm>>) target(%arg7 : memref<8x2048xf32, #tpu.memory_space<vmem>>) offsets(%dma_start3A_130 : memref<8xi32, #tpu.memory_space<vmem>>) semaphore(%arg11 : memref<!tpu.dma_semaphore, #tpu.memory_space<semaphore_mem>>)
      } else {
      }
      %mul3A_115 = arith.constant 8 : i32
      %mul3A_116 = arith.muli %add3A_102, %mul3A_115 : i32
      %add3A_117 = arith.addi %mul3A_2, %mul3A_116 : i32
      %dma_start3A_118 = arith.constant 0 : i32
      %dma_start3A_119 = tpu.memref_slice %arg4[%add3A_117, %dma_start3A_118] : memref<32768x2048xf32, #tpu.memory_space<hbm>> -> memref<8x2048xf32, #tpu.memory_space<hbm>>
      %dma_start3A_120 = arith.constant 0 : i32
      %dma_start3A_121 = tpu.memref_slice %arg4[%add3A_117, %dma_start3A_120] : memref<32768x2048xf32, #tpu.memory_space<hbm>> -> memref<8x2048xf32, #tpu.memory_space<hbm>>
      tpu.enqueue_dma source(%arg9 : memref<8x2048xf32, #tpu.memory_space<vmem>>) target(%dma_start3A_121 : memref<8x2048xf32, #tpu.memory_space<hbm>>) target_semaphore(%arg17 : memref<!tpu.dma_semaphore, #tpu.memory_space<semaphore_mem>>)
    }
    %scan3A_16 = arith.constant 32 : i32
    %dma_wait3A = arith.constant 0 : i32
    %dma_wait3A_17 = tpu.memref_slice %arg4[%mul3A_2, %dma_wait3A] : memref<32768x2048xf32, #tpu.memory_space<hbm>> -> memref<8x2048xf32, #tpu.memory_space<hbm>>
    %dma_wait3A_18 = arith.constant 0 : i32
    %dma_wait3A_19 = tpu.memref_slice %arg4[%mul3A_2, %dma_wait3A_18] : memref<32768x2048xf32, #tpu.memory_space<hbm>> -> memref<8x2048xf32, #tpu.memory_space<hbm>>
    tpu.wait_dma2 semaphore(%arg14 : memref<!tpu.dma_semaphore, #tpu.memory_space<semaphore_mem>>) src(%arg6 : memref<8x2048xf32, #tpu.memory_space<vmem>>) dst(%dma_wait3A_19 : memref<8x2048xf32, #tpu.memory_space<hbm>>)
    %dma_wait3A_20 = arith.constant 0 : i32
    %dma_wait3A_21 = tpu.memref_slice %arg4[%mul3A_2, %dma_wait3A_20] : memref<32768x2048xf32, #tpu.memory_space<hbm>> -> memref<8x2048xf32, #tpu.memory_space<hbm>>
    %dma_wait3A_22 = arith.constant 0 : i32
    %dma_wait3A_23 = tpu.memref_slice %arg4[%mul3A_2, %dma_wait3A_22] : memref<32768x2048xf32, #tpu.memory_space<hbm>> -> memref<8x2048xf32, #tpu.memory_space<hbm>>
    tpu.wait_dma2 semaphore(%arg15 : memref<!tpu.dma_semaphore, #tpu.memory_space<semaphore_mem>>) src(%arg7 : memref<8x2048xf32, #tpu.memory_space<vmem>>) dst(%dma_wait3A_23 : memref<8x2048xf32, #tpu.memory_space<hbm>>)
    %dma_wait3A_24 = arith.constant 0 : i32
    %dma_wait3A_25 = tpu.memref_slice %arg4[%mul3A_2, %dma_wait3A_24] : memref<32768x2048xf32, #tpu.memory_space<hbm>> -> memref<8x2048xf32, #tpu.memory_space<hbm>>
    %dma_wait3A_26 = arith.constant 0 : i32
    %dma_wait3A_27 = tpu.memref_slice %arg4[%mul3A_2, %dma_wait3A_26] : memref<32768x2048xf32, #tpu.memory_space<hbm>> -> memref<8x2048xf32, #tpu.memory_space<hbm>>
    tpu.wait_dma2 semaphore(%arg16 : memref<!tpu.dma_semaphore, #tpu.memory_space<semaphore_mem>>) src(%arg8 : memref<8x2048xf32, #tpu.memory_space<vmem>>) dst(%dma_wait3A_27 : memref<8x2048xf32, #tpu.memory_space<hbm>>)
    %dma_wait3A_28 = arith.constant 0 : i32
    %dma_wait3A_29 = tpu.memref_slice %arg4[%mul3A_2, %dma_wait3A_28] : memref<32768x2048xf32, #tpu.memory_space<hbm>> -> memref<8x2048xf32, #tpu.memory_space<hbm>>
    %dma_wait3A_30 = arith.constant 0 : i32
    %dma_wait3A_31 = tpu.memref_slice %arg4[%mul3A_2, %dma_wait3A_30] : memref<32768x2048xf32, #tpu.memory_space<hbm>> -> memref<8x2048xf32, #tpu.memory_space<hbm>>
    tpu.wait_dma2 semaphore(%arg17 : memref<!tpu.dma_semaphore, #tpu.memory_space<semaphore_mem>>) src(%arg9 : memref<8x2048xf32, #tpu.memory_space<vmem>>) dst(%dma_wait3A_31 : memref<8x2048xf32, #tpu.memory_space<hbm>>)
    return
  }
}

</mosaic_0001>

<sc_bundles>
// kernel: kernel.3.cloned.1.call-start
scs
__scs_entry_jumppad:
0x0: {  	(pc) =	sbr.rel $0x88, $3  }
0x1: {  	(tag) =	ssettag $0x0;
	lr =	simm.s32 $0x1  }
0x2: {  	[smem:$0x3F9F] =	sst lr;
	_ =	strace $0xD0000000  }
0x3: {  	_ = 	snop  }
0x4: {  	_ = 	snop  }
0x5: {  	_ = 	snop  }
0x6: {  	_ = 	snop  }
0x7: {  	_ = 	snop  }
__scs_overlays_trampoline_lowered:
0x8: {  	[smem:$0x3FAE] =	sst s0  }
0x9: {  	[smem:$0x3FAF] =	sst s1  }
0xa: {  	[smem:$0x3FB0] =	sst s2  }
0xb: {  	[smem:$0x3FB1] =	sst s3  }
0xc: {  	[smem:$0x3FB2] =	sst s4  }
0xd: {  	[smem:$0x3FB3] =	sst s5  }
0xe: {  	[smem:$0x3FB4] =	sst s6  }
0xf: {  	[smem:$0x3FB5] =	sst s7  }
0x10: {  	[smem:$0x3FB6] =	sst s8  }
0x11: {  	[smem:$0x3FB7] =	sst s9;
	s0 =	simm.s32 @!p0 $0x0  }
0x12: {  	s1 =	sld [smem:$0x3F9D];
	s0 =	simm.s32 @p0 $0x1  }
0x13: {  	[smem:$0x3FB8] =	sst s0;
	s0 =	simm.s32 @!p1 $0x0  }
0x14: {  	s2 =	sld [smem:$0x3F9C];
	s0 =	simm.s32 @p1 $0x1  }
0x15: {  	[smem:$0x3FB9] =	sst s0;
	s0 =	simm.s32 @!p2 $0x0  }
0x16: {  	s3 =	sld [smem:$0x3FDB];
	s0 =	simm.s32 @p2 $0x1  }
0x17: {  	s4 =	simm.s32 $0x1BF5;
	[smem:$0x3FBB] =	sst s0  }
0x18: {  	s0 =	sld [smem:$0x3F9E];
	_ =	swait.ge [sflag:s4], $0x0  }
0x19: {  	s7 =	sld [smem:$0x3F9F]  }
0x1a: {  	s8 =	sadd.s32 $0xFFFFE003, lr  }
0x1b: {  	s9 =	sadd.s32 $0xFFFFFEF7, lr;
	s5 =	simm.s32 $0xFFFFFFFF;
	p2 =	slt.u32 s8, $0xFFFFF086  }
0x1c: {  	p1 =	slt.u32 s9, $0xF7A;
	s5 =	simm.s32 @!p2 $0x0  }
0x1d: {  	s5 =	simm.s32 @p1 $0x1;
	p0 =	seq.s32 s7, s2  }
0x1e: {  	s7 =	smul.u32 @!p0 $0xF7A, s2;
	p2 =	seq.s32 @!p0 s5, $0x0  }
0x1f: {  	s9 =	smul.u32 $0xF7A, s1;
	s8 =	simm.s32 @!p0 $0x1BF5;
	p2 =	por !p2, p0  }
0x20: {  	[sflag:s8] =	ssyncset.s32 @!p0 $0xFFFFF086;
	s6 =	sadd.s32 @!p0 s3, s7;
	s7 =	simm.s32 @!p0 $0x108  }
0x21: {  	s3 =	sadd.s32 s3, s9;
	s6 =	sadd.s32 @!p0 $0x88, s6;
	s7 =	simm.s32 @p2 $0x1082  }
0x22: {  	[simem:s7], [sflag:s8] =	dma.local @!p0 [hbm:s6], $0xF7A  }
0x23: {  	s9 =	sor.u32 $0xD0000000, s2;
	s6 =	simm.s32 $0x108;
	_ =	swait.ge @!p0 [sflag:s8], $0x0  }
0x24: {  	s3 =	sadd.s32 $0x88, s3;
	s6 =	simm.s32 @!p1 $0x1082;
	[sflag:s4] =	ssyncset.s32 $0xFFFFF086  }
0x25: {  	[simem:s6], [sflag:s4] =	dma.local [hbm:s3], $0xF7A  }
0x26: {  	[smem:$0x3F9F] =	sst s1;
	(tag) =	ssettag s2;
	_ =	strace s9  }
0x27: {  	s1 =	sld [smem:$0x3FAF]  }
0x28: {  	s2 =	sld [smem:$0x3FB0]  }
0x29: {  	s4 =	sld [smem:$0x3FB2]  }
0x2a: {  	p0 =	seq.s32 s5, $0x0;
	s5 =	sld [smem:$0x3FB3]  }
0x2b: {  	s6 =	sld [smem:$0x3FB4]  }
0x2c: {  	s7 =	sld [smem:$0x3FB5]  }
0x2d: {  	s3 =	simm.s32 $0x108;
	s8 =	sld [smem:$0x3FB6]  }
0x2e: {  	s3 =	simm.s32 @!p0 $0x1082;
	s9 =	sld [smem:$0x3FB7]  }
0x2f: {  	lr =	sadd.s32 s0, s3;
	s0 =	sld [smem:$0x3FAE]  }
0x30: {  	s3 =	sld [smem:$0x3FB1]  }
0x31: {  	[smem:$0x3FBA] =	sst s10  }
0x32: {  	s10 =	sld [smem:$0x3FB8];
	_ =	sdelay $0x3  }
0x33: {  	p0 =	seq.s32 s10, $0x1;
	s10 =	sld [smem:$0x3FBA];
	_ =	sdelay $0x3  }
0x34: {  	[smem:$0x3FBA] =	sst s10  }
0x35: {  	s10 =	sld [smem:$0x3FB9];
	_ =	sdelay $0x3  }
0x36: {  	p1 =	seq.s32 s10, $0x1;
	s10 =	sld [smem:$0x3FBA];
	_ =	sdelay $0x3  }
0x37: {  	[smem:$0x3FBA] =	sst s10  }
0x38: {  	s10 =	sld [smem:$0x3FBB]  }
0x39: {  	_ = 	snop;
	(pc) =	sbr.ind lr, $3  }
0x3a: {  	_ = 	snop  }
0x3b: {  	_ = 	snop  }
0x3c: {  	p2 =	seq.s32 s10, $0x1;
	s10 =	sld [smem:$0x3FBA]  }
0x3d: {  	_ =	shalt  }
0x3e: {  	_ =	shalt  }
0x3f: {  	_ =	shalt  }
0x40: {  	_ =	shalt  }
0x41: {  	_ =	shalt  }
0x42: {  	_ =	shalt  }
0x43: {  	_ =	shalt  }
0x44: {  	_ =	shalt  }
0x45: {  	_ =	shalt  }
0x46: {  	_ =	shalt  }
0x47: {  	_ =	shalt  }
0x48: {  	_ =	shalt  }
0x49: {  	_ =	shalt  }
0x4a: {  	_ =	shalt  }
0x4b: {  	_ =	shalt  }
0x4c: {  	_ =	shalt  }
0x4d: {  	_ =	shalt  }
0x4e: {  	_ =	shalt  }
0x4f: {  	_ =	shalt  }
0x50: {  	_ =	shalt  }
0x51: {  	_ =	shalt  }
0x52: {  	_ =	shalt  }
0x53: {  	_ =	shalt  }
0x54: {  	_ =	shalt  }
0x55: {  	_ =	shalt  }
0x56: {  	_ =	shalt  }
0x57: {  	_ =	shalt  }
0x58: {  	_ =	shalt  }
0x59: {  	_ =	shalt  }
0x5a: {  	_ =	shalt  }
0x5b: {  	_ =	shalt  }
0x5c: {  	_ =	shalt  }
0x5d: {  	_ =	shalt  }
0x5e: {  	_ =	shalt  }
0x5f: {  	_ =	shalt  }
0x60: {  	_ =	shalt  }
0x61: {  	_ =	shalt  }
0x62: {  	_ =	shalt  }
0x63: {  	_ =	shalt  }
0x64: {  	_ =	shalt  }
0x65: {  	_ =	shalt  }
0x66: {  	_ =	shalt  }
0x67: {  	_ =	shalt  }
0x68: {  	_ =	shalt  }
0x69: {  	_ =	shalt  }
0x6a: {  	_ =	shalt  }
0x6b: {  	_ =	shalt  }
0x6c: {  	_ =	shalt  }
0x6d: {  	_ =	shalt  }
0x6e: {  	_ =	shalt  }
0x6f: {  	_ =	shalt  }
0x70: {  	_ =	shalt  }
0x71: {  	_ =	shalt  }
0x72: {  	_ =	shalt  }
0x73: {  	_ =	shalt  }
0x74: {  	_ =	shalt  }
0x75: {  	_ =	shalt  }
0x76: {  	_ =	shalt  }
0x77: {  	_ =	shalt  }
0x78: {  	_ =	shalt  }
0x79: {  	_ =	shalt  }
0x7a: {  	_ =	shalt  }
0x7b: {  	_ =	shalt  }
0x7c: {  	_ =	shalt  }
0x7d: {  	_ =	shalt  }
0x7e: {  	_ =	shalt  }
0x7f: {  	_ =	shalt  }
0x80: {  	_ =	shalt  }
0x81: {  	_ =	shalt  }
0x82: {  	_ =	shalt  }
0x83: {  	_ =	shalt  }
0x84: {  	_ =	shalt  }
0x85: {  	_ =	shalt  }
0x86: {  	_ =	shalt  }
0x87: {  	_ =	shalt  }
.Lfunc_end0:
.L_simem_size_0:
called_computation_lowered:
.L_overlay_start_0:
0x88: {  	s2 =	sld [smem:$0x3FD9]  }
0x89: {  	s3 =	sld [smem:$0x3FFE];
	_ =	sdelay $0x1  }
0x8a: {  	s1 =	srdreg.scid  }
0x8b: {  	s0 =	sand.u32 $0x1, s1  }
0x8c: {  	s17 =	sshll.u32 s0, $0xA;
	s2 =	sadd.s32 s3, s2  }
0x8d: {  	s2 =	sadd.s32 s2, s17  }
0x8e: {  	[smem:$0x3FC6] =	sst s2  }
0x8f: {  	_ = 	snop  }
0x90: {  	s2 =	sld [smem:$0x3FC8]  }
0x91: {  	s18 =	sld [smem:$0x3FD0];
	(tm) =	ssettm $0x1  }
0x92: {  	s4 =	sld [smem:$0x3FFB];
	_ =	sdelay $0x3  }
0x93: {  	_ =	strace s4  }
0x94: {  	s4 =	sld [smem:$0x3FFC];
	_ =	sdelay $0x3  }
0x95: {  	_ =	strace s4  }
0x96: {  	s4 =	sld [smem:$0x3FFD];
	_ =	sdelay $0x3  }
0x97: {  	_ =	strace s4  }
0x98: {  	_ =	strace $0x8FFFFFFF  }
0x99: {  	s19 =	sld [smem:$0x3FDB];
	_ =	sdelay $0x1  }
0x9a: {  	s5 =	simm.s32 $_scs_section_size  }
0x9b: {  	s6 =	simm.s32 $_size__tile_overlayer_lowered;
	s7 =	simm.s32 $_tile_overlayer_lowered  }
0x9c: {  	s22 =	simm.s32 $0x1BFF;
	s21 =	sshll.u32 s7, $0x1;
	s4 =	sadd.s32 s5, s19  }
0x9d: {  	s8 =	simm.s32 $0x0;
	s20 =	sshll.u32 s6, $0x1;
	s6 =	sadd.s32 s21, s4  }
0x9e: {  	[timem:s8], [sflag:s22] =	dma.local [hbm:s6], s20  }
0x9f: {  	_ =	swait.ge [sflag:s22], s20  }
0xa0: {  	s5 =	ssub.s32 $0x0, s20;
	[sflag:s22] =	ssyncset.done $0x0  }
0xa1: {  	[sflag:s22] =	ssyncadd.s32 s5;
	_ =	sdelay $0x1  }
0xa2: {  	s23 =	simm.s32 $0x1B8B  }
0xa3: {  	_ =	swait.ge [sflag:s23], $0x1  }
0xa4: {  	[sflag:s23] =	ssyncset.done $0x0  }
0xa5: {  	s25 =	simm.s32 $0x1B8E;
	s24 =	sld [smem:$0x3FFE];
	[sflag:s23] =	ssyncadd.s32 $0xFFFFFFFF  }
0xa6: {  	s26 =	simm.s32 $execute0_lowered;
	[smem:$0x3FD2] =	sst s25  }
0xa7: {  	s6 =	sshll.u32 s26, $0x1;
	_ =	strace $0x80000046;
	[dreg:$0x1] =	wrdreg $0xFFFFFFFF  }
0xa8: {  	s28 =	simm.s32 $_size_execute0_lowered;
	s4 =	sadd.s32 s4, s6;
	[dreg:$0x0] =	wrdreg $0x0  }
0xa9: {  	s6 =	sshll.u32 s28, $0x1;
	[dreg:$0x2] =	wrdreg s4  }
0xaa: {  	[dreg:$0x3] =	wrdreg s6  }
0xab: {  	[dreg:$0x4] =	wrdreg $0xC0  }
0xac: {  	_ =	task [dreg:s8], $0x5FFFF  }
0xad: {  	[dreg:$0x1] =	wrdreg $0xFFFFFFFF  }
0xae: {  	[dreg:$0x0] =	wrdreg $0x60  }
0xaf: {  	[dreg:$0x2] =	wrdreg s2  }
0xb0: {  	[dreg:$0x3] =	wrdreg s24  }
0xb1: {  	[dreg:$0x4] =	wrdreg s18  }
0xb2: {  	[dreg:$0x5] =	wrdreg $0x9  }
0xb3: {  	_ =	task.clear_ibuf [dreg:s8], $0x6FFFF;
	_ =	strace $0x90000046  }
0xb4: {  	s29 =	simm.s32 $0x9;
	_ =	strace $0x80000048  }
0xb5: {  	_ =	swait.ge [sflag:s29], $0x1  }
0xb6: {  	[sflag:s29] =	ssyncadd.s32 $0xFFFFFFFF  }
0xb7: {  	_ =	strace $0x90000048  }
0xb8: {  	_ =	sfence  }
0xb9: {  	s30 =	sld [smem:$0x0];
	_ =	sdelay $0x2  }
0xba: {  	s31 =	sshll.u32 s1, $0xD;
	s1 =	sshrl.u32 s1, $0x2  }
0xbb: {  	s3 =	sand.u32 $0x4000, s31;
	s1 =	sadd.s32 s1, s30  }
0xbc: {  	s0 =	sor.u32 s3, s0;
	s1 =	sshll.u32 s1, $0x11  }
0xbd: {  	s0 =	sor.u32 s1, s0  }
0xbe: {  	s0 =	sadd.s32 $0x8F2B, s0  }
0xbf: {  	[sflag:s0] =	ssyncadd.remote.s32 $0x1  }
0xc0: {  	_ =	sfence.sel $0xFFFF  }
0xc1: {  	[dreg:$0x0] =	wrdreg $0xFFFFFFFF;
	(pc) =	sbr.abs _section_cstart, $3  }
0xc2: {  	[dreg:$0x1] =	wrdreg $0xFFFFFFFF  }
0xc3: {  	_ =	task.clear_ibuf [dreg:s8], $0x2FFFF;
	_ =	strace $0x9FFFFFFF  }
0xc4: {  	(tm) =	ssettm $0x7FFFFFFF  }
0xc5: {  	_ =	shalt  }
tec
execute0_lowered:
.L_overlay_start_1:
0x0: {  	(tag) =	ssettag $0x1  }
0x1: {  	s1 =	rddreg [dreg:$0x0]  }
0x2: {  	s0 =	srdreg.scid;
	s2 =	rddreg [dreg:$0x1]  }
0x3: {  	s9 =	stileid.u32;
	s8 =	rddreg [dreg:$0x2]  }
0x4: {  	s15 =	simm.s32 $0x8C00;
	s16 =	simm.s32 $0x9400;
	s0 =	sand.u32 $0x1, s0  }
0x5: {  	s17 =	simm.s32 $0x9C00;
	s3 =	sshll.u32 s9, $0xB;
	s4 =	sshll.u32 s0, $0xA  }
0x6: {  	s18 =	simm.s32 $0xA400;
	s7 =	sor.u32 s4, s3;
	s3 =	simm.s32 $0x0  }
0x7: {  	s19 =	simm.s32 $0xAC00;
	s20 =	simm.s32 $0xB400;
	[smem:$0x7FF] =	sst s3  }
0x8: {  	s21 =	simm.s32 $0xBC00;
	_ =	strace $0x80000047;
	[dreg:$0x7] =	wrdreg s15  }
0x9: {  	s22 =	simm.s32 $0xCC00;
	s23 =	simm.s32 $0xD400;
	[dreg:$0x8] =	wrdreg s16  }
0xa: {  	s24 =	simm.s32 $0xDC00;
	s25 =	simm.s32 $0xE400;
	[dreg:$0x9] =	wrdreg s17  }
0xb: {  	s26 =	simm.s32 $0xEC00;
	s28 =	simm.s32 $0xF400;
	[dreg:$0xa] =	wrdreg s18  }
0xc: {  	s29 =	simm.s32 $0xFC00;
	s30 =	simm.s32 $0x7C00;
	[dreg:$0xb] =	wrdreg s19  }
0xd: {  	s31 =	simm.s32 $0x1;
	s9 =	sshll.u32 s9, $0x13;
	[dreg:$0xc] =	wrdreg s20  }
0xe: {  	s5 =	ssub.s32 $0x2, s0;
	s0 =	sshll.u32 s0, $0x12;
	[dreg:$0xd] =	wrdreg s21  }
0xf: {  	s6 =	sshrl.u32 s5, $0x1;
	s4 =	sshrl.u32 s7, $0x3;
	[dreg:$0xe] =	wrdreg s22  }
0x10: {  	s12 =	ssub.s32 s5, s6;
	s5 =	sadd.s32 $0x100, s1;
	[dreg:$0xf] =	wrdreg s23  }
0x11: {  	s6 =	sadd.s32 $0x200, s1;
	s10 =	sshll.u32 s7, $0x8;
	[dreg:$0x10] =	wrdreg s24  }
0x12: {  	s7 =	sadd.s32 $0x300, s1;
	s2 =	sadd.s32 s4, s2;
	[dreg:$0x11] =	wrdreg s25  }
0x13: {  	s11 =	sadd.s32 s10, s8;
	s10 =	sadd.s32 $0x600, s1;
	[dreg:$0x12] =	wrdreg s26  }
0x14: {  	s12 =	smax.u32 s12, $0x1;
	s22 =	simm.s32 $0x4400;
	[dreg:$0x13] =	wrdreg s28  }
0x15: {  	[dreg:$0x14] =	wrdreg s29;
	s15 =	simm.s32 $0xC400;
	s16 =	simm.s32 $0x3  }
0x16: {  	s17 =	simm.s32 $0x4;
	s18 =	simm.s32 $0x5;
	s19 =	simm.s32 $0x6  }
0x17: {  	s20 =	simm.s32 $0x7;
	s21 =	simm.s32 $0x8;
	s23 =	simm.s32 $0x0  }
0x18: {  	s4 =	sadd.s32 $0x400, s2;
	s2 =	sadd.s32 s9, s8;
	s8 =	sadd.s32 $0x400, s1  }
0x19: {  	s13 =	sadd.s32 $0x1800, s11;
	s9 =	sadd.s32 $0x500, s1;
	s14 =	sadd.s32 $0x1000, s11  }
0x1a: {  	v0 =	vlaneseq.u32;
	s11 =	sadd.s32 $0x700, s1;
	s0 =	sadd.s32 s0, s2;
	[dreg:$0x5] =	wrdreg s13  }
0x1b: {  	v1 =	vshrl.u32 v0, $0x3;
	[dreg:$0x6] =	wrdreg s14;
	s13 =	simm.s32 $0x9;
	s14 =	simm.s32 $0x400  }
0x1c: {  	vm0 =	vmmov $0xffff;
	v0 =	vand.u32 $0x7, v0;
	v1 =	vmul.u32 $0x8, v1;
	s2 =	simm.s32 $0x8400;
	[dreg:$0x4] =	wrdreg s0;
	s0 =	simm.s32 $0x2  }
.LBB2_1:
0x1d: {  	[tilespmem:s3], [sflag:$0x9] =	stream.linear.gather [hbm4b:s4+s3], $0x400, $0x38;
	[tilespmem:$0x10400] =	vst v63  }
0x1e: {  	_ =	swait.ge [sflag:s13], $0x400  }
0x1f: {  	[sflag:s13] =	ssyncset.done $0x0  }
0x20: {  	[sflag:s13] =	ssyncadd.s32 $0xFFFFFC00  }
0x21: {  	v2 =	vld.msk [tilespmem:$0x0], $0xff;
	_ =	sdelay $0x4  }
0x22: {  	v3 =	vshll.u32 v2, $0x4  }
0x23: {  	v2 =	vand.u32 $0x7, v2;
	v3 =	vand.u32 $0xFFFFFF80, v3  }
0x24: {  	v2 =	vor.u32 v2, v3  }
0x25: {  	v2 =	vperm.xlane v2, v0;
	_ =	sdelay $0x1  }
0x26: {  	v2 =	vadd.s32 v1, v2;
	_ =	sdelay $0x4  }
0x27: {  	[tilespmem:s14], [sflag:$0x1] =	stream.indirect_vreg.gather [hbm4b:s1+s3], $0x80, v2, vm0, $0xb8;
	[tilespmem:$0x10400] =	vst v63  }
0x28: {  	s24 =	simm.s32 $0xC00  }
0x29: {  	[tilespmem:s24], [sflag:$0x1] =	stream.indirect_vreg.gather [hbm4b:s5+s3], $0x80, v2, vm0, $0xb8;
	[tilespmem:$0x10400] =	vst v63  }
0x2a: {  	s25 =	simm.s32 $0x1400  }
0x2b: {  	[tilespmem:s25], [sflag:$0x1] =	stream.indirect_vreg.gather [hbm4b:s6+s3], $0x80, v2, vm0, $0xb8;
	[tilespmem:$0x10400] =	vst v63  }
0x2c: {  	s26 =	simm.s32 $0x1C00  }
0x2d: {  	[tilespmem:s26], [sflag:$0x1] =	stream.indirect_vreg.gather [hbm4b:s7+s3], $0x80, v2, vm0, $0xb8;
	[tilespmem:$0x10400] =	vst v63  }
0x2e: {  	s28 =	simm.s32 $0x2400  }
0x2f: {  	[tilespmem:s28], [sflag:$0x1] =	stream.indirect_vreg.gather [hbm4b:s8+s3], $0x80, v2, vm0, $0xb8;
	[tilespmem:$0x10400] =	vst v63  }
0x30: {  	s29 =	simm.s32 $0x2C00  }
0x31: {  	[tilespmem:s29], [sflag:$0x1] =	stream.indirect_vreg.gather [hbm4b:s9+s3], $0x80, v2, vm0, $0xb8;
	[tilespmem:$0x10400] =	vst v63  }
0x32: {  	s25 =	simm.s32 $0x3400  }
0x33: {  	[tilespmem:s25], [sflag:$0x1] =	stream.indirect_vreg.gather [hbm4b:s10+s3], $0x80, v2, vm0, $0xb8;
	[tilespmem:$0x10400] =	vst v63  }
0x34: {  	s26 =	simm.s32 $0x3C00  }
0x35: {  	[tilespmem:s26], [sflag:$0x1] =	stream.indirect_vreg.gather [hbm4b:s11+s3], $0x80, v2, vm0, $0xb8;
	[tilespmem:$0x10400] =	vst v63  }
0x36: {  	v2 =	vld.msk [tilespmem:$0x8], $0xff;
	_ =	sdelay $0x4  }
0x37: {  	v3 =	vshll.u32 v2, $0x4  }
0x38: {  	v2 =	vand.u32 $0x7, v2;
	v3 =	vand.u32 $0xFFFFFF80, v3  }
0x39: {  	v2 =	vor.u32 v2, v3  }
0x3a: {  	v2 =	vperm.xlane v2, v0;
	_ =	sdelay $0x1  }
0x3b: {  	v2 =	vadd.s32 v1, v2;
	_ =	sdelay $0x4  }
0x3c: {  	[tilespmem:s22], [sflag:$0x2] =	stream.indirect_vreg.gather [hbm4b:s1+s3], $0x80, v2, vm0, $0xb8;
	[tilespmem:$0x10400] =	vst v63  }
0x3d: {  	s28 =	simm.s32 $0x4C00  }
0x3e: {  	[tilespmem:s28], [sflag:$0x2] =	stream.indirect_vreg.gather [hbm4b:s5+s3], $0x80, v2, vm0, $0xb8;
	[tilespmem:$0x10400] =	vst v63  }
0x3f: {  	s29 =	simm.s32 $0x5400  }
0x40: {  	[tilespmem:s29], [sflag:$0x2] =	stream.indirect_vreg.gather [hbm4b:s6+s3], $0x80, v2, vm0, $0xb8;
	[tilespmem:$0x10400] =	vst v63  }
0x41: {  	s25 =	simm.s32 $0x5C00  }
0x42: {  	[tilespmem:s25], [sflag:$0x2] =	stream.indirect_vreg.gather [hbm4b:s7+s3], $0x80, v2, vm0, $0xb8;
	[tilespmem:$0x10400] =	vst v63  }
0x43: {  	s26 =	simm.s32 $0x6400  }
0x44: {  	[tilespmem:s26], [sflag:$0x2] =	stream.indirect_vreg.gather [hbm4b:s8+s3], $0x80, v2, vm0, $0xb8;
	[tilespmem:$0x10400] =	vst v63  }
0x45: {  	s28 =	simm.s32 $0x6C00  }
0x46: {  	[tilespmem:s28], [sflag:$0x2] =	stream.indirect_vreg.gather [hbm4b:s9+s3], $0x80, v2, vm0, $0xb8;
	[tilespmem:$0x10400] =	vst v63  }
0x47: {  	s29 =	simm.s32 $0x7400  }
0x48: {  	[tilespmem:s29], [sflag:$0x2] =	stream.indirect_vreg.gather [hbm4b:s10+s3], $0x80, v2, vm0, $0xb8;
	[tilespmem:$0x10400] =	vst v63  }
0x49: {  	s24 =	simm.s32 $0x18;
	s25 =	simm.s32 $0x0  }
0x4a: {  	[tilespmem:s30], [sflag:$0x2] =	stream.indirect_vreg.gather [hbm4b:s11+s3], $0x80, v2, vm0, $0xb8;
	[tilespmem:$0x10400] =	vst v63  }
.LBB2_2:
0x4b: {  	_ =	swait.ge [sflag:s31], $0x4000  }
0x4c: {  	p0 =	seq.s32 s25, $0x0;
	[sflag:s31] =	ssyncset.done $0x0  }
0x4d: {  	s26 =	simm.s32 @!p0 $0x7;
	[sflag:s31] =	ssyncadd.s32 $0xFFFFC000  }
0x4e: {  	_ =	swait.ge @!p0 [sflag:s26], $0x4000  }
0x4f: {  	[sflag:s26] =	ssyncset.done @!p0 $0x0  }
0x50: {  	[sflag:s26] =	ssyncadd.s32 @!p0 $0xFFFFC000  }
0x51: {  	v2 =	vld.msk [tilespmem:s24+$0xFFFFFFF8], $0xff;
	_ =	sdelay $0x4  }
0x52: {  	v3 =	vshll.u32 v2, $0x4  }
0x53: {  	v2 =	vand.u32 $0x7, v2;
	v3 =	vand.u32 $0xFFFFFF80, v3  }
0x54: {  	v2 =	vor.u32 v2, v3  }
0x55: {  	v2 =	vperm.xlane v2, v0;
	_ =	sdelay $0x1  }
0x56: {  	v2 =	vadd.s32 v1, v2;
	_ =	sdelay $0x3  }
0x57: {  	s29 =	rddreg [dreg:$0x7]  }
0x58: {  	[tilespmem:s2], [sflag:$0x3] =	stream.indirect_vreg.gather [hbm4b:s1+s3], $0x80, v2, vm0, $0xb8;
	[tilespmem:$0x10400] =	vst v63  }
0x59: {  	s28 =	rddreg [dreg:$0x8]  }
0x5a: {  	[tilespmem:s29], [sflag:$0x3] =	stream.indirect_vreg.gather [hbm4b:s5+s3], $0x80, v2, vm0, $0xb8;
	[tilespmem:$0x10400] =	vst v63  }
0x5b: {  	s26 =	rddreg [dreg:$0x9]  }
0x5c: {  	[tilespmem:s28], [sflag:$0x3] =	stream.indirect_vreg.gather [hbm4b:s6+s3], $0x80, v2, vm0, $0xb8;
	[tilespmem:$0x10400] =	vst v63  }
0x5d: {  	s29 =	rddreg [dreg:$0xa]  }
0x5e: {  	[tilespmem:s26], [sflag:$0x3] =	stream.indirect_vreg.gather [hbm4b:s7+s3], $0x80, v2, vm0, $0xb8;
	[tilespmem:$0x10400] =	vst v63  }
0x5f: {  	s26 =	rddreg [dreg:$0xb]  }
0x60: {  	[tilespmem:s29], [sflag:$0x3] =	stream.indirect_vreg.gather [hbm4b:s8+s3], $0x80, v2, vm0, $0xb8;
	[tilespmem:$0x10400] =	vst v63  }
0x61: {  	s29 =	rddreg [dreg:$0xc]  }
0x62: {  	[tilespmem:s26], [sflag:$0x3] =	stream.indirect_vreg.gather [hbm4b:s9+s3], $0x80, v2, vm0, $0xb8;
	[tilespmem:$0x10400] =	vst v63  }
0x63: {  	s26 =	rddreg [dreg:$0xd]  }
0x64: {  	[tilespmem:s29], [sflag:$0x3] =	stream.indirect_vreg.gather [hbm4b:s10+s3], $0x80, v2, vm0, $0xb8;
	[tilespmem:$0x10400] =	vst v63  }
0x65: {  	s29 =	rddreg [dreg:$0x4]  }
0x66: {  	[tilespmem:s26], [sflag:$0x3] =	stream.indirect_vreg.gather [hbm4b:s11+s3], $0x80, v2, vm0, $0xb8;
	[tilespmem:$0x10400] =	vst v63  }
0x67: {  	s26 =	sadd.s32 s25, s29  }
0x68: {  	[hbm4b:s26+s3] =	stream.linear.scatter [tilespmem:s14], [sflag:$0x5], $0x4000, $0x38;
	[tilespmem:$0x10400] =	vst v63  }
0x69: {  	_ =	swait.ge [sflag:s0], $0x4000  }
0x6a: {  	[sflag:s0] =	ssyncset.done $0x0  }
0x6b: {  	s28 =	simm.s32 @!p0 $0x8;
	[sflag:s0] =	ssyncadd.s32 $0xFFFFC000  }
0x6c: {  	_ =	swait.ge @!p0 [sflag:s28], $0x4000  }
0x6d: {  	[sflag:s28] =	ssyncset.done @!p0 $0x0  }
0x6e: {  	[sflag:s28] =	ssyncadd.s32 @!p0 $0xFFFFC000  }
0x6f: {  	v2 =	vld.msk [tilespmem:s24+$0x0], $0xff;
	_ =	sdelay $0x4  }
0x70: {  	v3 =	vshll.u32 v2, $0x4  }
0x71: {  	v2 =	vand.u32 $0x7, v2;
	v3 =	vand.u32 $0xFFFFFF80, v3  }
0x72: {  	v2 =	vor.u32 v2, v3  }
0x73: {  	v2 =	vperm.xlane v2, v0;
	_ =	sdelay $0x1  }
0x74: {  	v2 =	vadd.s32 v1, v2;
	_ =	sdelay $0x4  }
0x75: {  	[tilespmem:s15], [sflag:$0x4] =	stream.indirect_vreg.gather [hbm4b:s1+s3], $0x80, v2, vm0, $0xb8;
	[tilespmem:$0x10400] =	vst v63  }
0x76: {  	s28 =	rddreg [dreg:$0xe]  }
0x77: {  	[tilespmem:s28], [sflag:$0x4] =	stream.indirect_vreg.gather [hbm4b:s5+s3], $0x80, v2, vm0, $0xb8;
	[tilespmem:$0x10400] =	vst v63  }
0x78: {  	s29 =	rddreg [dreg:$0xf]  }
0x79: {  	[tilespmem:s29], [sflag:$0x4] =	stream.indirect_vreg.gather [hbm4b:s6+s3], $0x80, v2, vm0, $0xb8;
	[tilespmem:$0x10400] =	vst v63  }
0x7a: {  	s28 =	rddreg [dreg:$0x10]  }
0x7b: {  	[tilespmem:s28], [sflag:$0x4] =	stream.indirect_vreg.gather [hbm4b:s7+s3], $0x80, v2, vm0, $0xb8;
	[tilespmem:$0x10400] =	vst v63  }
0x7c: {  	s29 =	rddreg [dreg:$0x11]  }
0x7d: {  	[tilespmem:s29], [sflag:$0x4] =	stream.indirect_vreg.gather [hbm4b:s8+s3], $0x80, v2, vm0, $0xb8;
	[tilespmem:$0x10400] =	vst v63  }
0x7e: {  	s28 =	rddreg [dreg:$0x12]  }
0x7f: {  	[tilespmem:s28], [sflag:$0x4] =	stream.indirect_vreg.gather [hbm4b:s9+s3], $0x80, v2, vm0, $0xb8;
	[tilespmem:$0x10400] =	vst v63  }
0x80: {  	s29 =	rddreg [dreg:$0x13]  }
0x81: {  	[tilespmem:s29], [sflag:$0x4] =	stream.indirect_vreg.gather [hbm4b:s10+s3], $0x80, v2, vm0, $0xb8;
	[tilespmem:$0x10400] =	vst v63  }
0x82: {  	s28 =	rddreg [dreg:$0x14]  }
0x83: {  	[tilespmem:s28], [sflag:$0x4] =	stream.indirect_vreg.gather [hbm4b:s11+s3], $0x80, v2, vm0, $0xb8;
	[tilespmem:$0x10400] =	vst v63  }
0x84: {  	s26 =	sadd.s32 $0x800, s26  }
0x85: {  	[hbm4b:s26+s3] =	stream.linear.scatter [tilespmem:s22], [sflag:$0x6], $0x4000, $0x38;
	[tilespmem:$0x10400] =	vst v63  }
0x86: {  	_ =	swait.ge [sflag:s16], $0x4000  }
0x87: {  	p0 =	seq.s32 s25, $0x3E000;
	[sflag:s16] =	ssyncset.done $0x0  }
0x88: {  	s26 =	simm.s32 @!p0 $0x5;
	[sflag:s16] =	ssyncadd.s32 $0xFFFFC000  }
0x89: {  	_ =	swait.ge @!p0 [sflag:s26], $0x4000  }
0x8a: {  	[sflag:s26] =	ssyncset.done @!p0 $0x0  }
0x8b: {  	[sflag:s26] =	ssyncadd.s32 @!p0 $0xFFFFC000  }
0x8c: {  	v2 =	vld.msk @!p0 [tilespmem:s24+$0x8], $0xff;
	_ =	sdelay $0x4  }
0x8d: {  	v3 =	vshll.u32 @!p0 v2, $0x4  }
0x8e: {  	v4 =	vlaneseq.u32 @!p0;
	v2 =	vand.u32 @!p0 $0x7, v2;
	v3 =	vand.u32 @!p0 $0xFFFFFF80, v3  }
0x8f: {  	v2 =	vor.u32 @!p0 v2, v3;
	v3 =	vand.u32 @!p0 $0x7, v4;
	v4 =	vshrl.u32 @!p0 v4, $0x3  }
0x90: {  	v2 =	vperm.xlane @!p0 v2, v3;
	v4 =	vmul.u32 @!p0 $0x8, v4;
	_ =	sdelay $0x1  }
0x91: {  	v2 =	vadd.s32 @!p0 v4, v2;
	_ =	sdelay $0x3  }
0x92: {  	vm1 =	vmmov @!p0 $0xffff;
	s28 =	simm.s32 @!p0 $0x400;
	s26 =	simm.s32 @!p0 $0x0  }
0x93: {  	[tilespmem:s28], [sflag:$0x1] =	stream.indirect_vreg.gather @!p0 [hbm4b:s1+s26], $0x80, v2, vm1, $0xb8;
	[tilespmem:$0x10400] =	vst v63  }
0x94: {  	s28 =	simm.s32 @!p0 $0xC00  }
0x95: {  	[tilespmem:s28], [sflag:$0x1] =	stream.indirect_vreg.gather @!p0 [hbm4b:s5+s26], $0x80, v2, vm1, $0xb8;
	[tilespmem:$0x10400] =	vst v63  }
0x96: {  	s28 =	simm.s32 @!p0 $0x1400  }
0x97: {  	[tilespmem:s28], [sflag:$0x1] =	stream.indirect_vreg.gather @!p0 [hbm4b:s6+s26], $0x80, v2, vm1, $0xb8;
	[tilespmem:$0x10400] =	vst v63  }
0x98: {  	s28 =	simm.s32 @!p0 $0x1C00  }
0x99: {  	[tilespmem:s28], [sflag:$0x1] =	stream.indirect_vreg.gather @!p0 [hbm4b:s7+s26], $0x80, v2, vm1, $0xb8;
	[tilespmem:$0x10400] =	vst v63  }
0x9a: {  	s28 =	simm.s32 @!p0 $0x2400  }
0x9b: {  	[tilespmem:s28], [sflag:$0x1] =	stream.indirect_vreg.gather @!p0 [hbm4b:s8+s26], $0x80, v2, vm1, $0xb8;
	[tilespmem:$0x10400] =	vst v63  }
0x9c: {  	s28 =	simm.s32 @!p0 $0x2C00  }
0x9d: {  	[tilespmem:s28], [sflag:$0x1] =	stream.indirect_vreg.gather @!p0 [hbm4b:s9+s26], $0x80, v2, vm1, $0xb8;
	[tilespmem:$0x10400] =	vst v63  }
0x9e: {  	s28 =	simm.s32 @!p0 $0x3400  }
0x9f: {  	[tilespmem:s28], [sflag:$0x1] =	stream.indirect_vreg.gather @!p0 [hbm4b:s10+s26], $0x80, v2, vm1, $0xb8;
	[tilespmem:$0x10400] =	vst v63  }
0xa0: {  	s29 =	simm.s32 @!p0 $0x3C00;
	s28 =	rddreg [dreg:$0x6]  }
0xa1: {  	[tilespmem:s29], [sflag:$0x1] =	stream.indirect_vreg.gather @!p0 [hbm4b:s11+s26], $0x80, v2, vm1, $0xb8;
	[tilespmem:$0x10400] =	vst v63  }
0xa2: {  	s28 =	sadd.s32 s25, s28  }
0xa3: {  	[hbm4b:s28+s3] =	stream.linear.scatter [tilespmem:s2], [sflag:$0x7], $0x4000, $0x38;
	[tilespmem:$0x10400] =	vst v63  }
0xa4: {  	_ =	swait.ge [sflag:s17], $0x4000  }
0xa5: {  	[sflag:s17] =	ssyncset.done $0x0  }
0xa6: {  	s28 =	simm.s32 @!p0 $0x6;
	[sflag:s17] =	ssyncadd.s32 $0xFFFFC000  }
0xa7: {  	_ =	swait.ge @!p0 [sflag:s28], $0x4000  }
0xa8: {  	[sflag:s28] =	ssyncset.done @!p0 $0x0  }
0xa9: {  	[sflag:s28] =	ssyncadd.s32 @!p0 $0xFFFFC000  }
0xaa: {  	v2 =	vld.msk @!p0 [tilespmem:s24+$0x10], $0xff;
	_ =	sdelay $0x4  }
0xab: {  	v5 =	vshll.u32 @!p0 v2, $0x4  }
0xac: {  	v2 =	vand.u32 @!p0 $0x7, v2;
	v5 =	vand.u32 @!p0 $0xFFFFFF80, v5  }
0xad: {  	v2 =	vor.u32 @!p0 v2, v5  }
0xae: {  	v2 =	vperm.xlane @!p0 v2, v3;
	_ =	sdelay $0x1  }
0xaf: {  	v2 =	vadd.s32 @!p0 v4, v2;
	_ =	sdelay $0x3  }
0xb0: {  	s28 =	simm.s32 @!p0 $0x4400  }
0xb1: {  	[tilespmem:s28], [sflag:$0x2] =	stream.indirect_vreg.gather @!p0 [hbm4b:s1+s26], $0x80, v2, vm1, $0xb8;
	[tilespmem:$0x10400] =	vst v63  }
0xb2: {  	s28 =	simm.s32 @!p0 $0x4C00  }
0xb3: {  	[tilespmem:s28], [sflag:$0x2] =	stream.indirect_vreg.gather @!p0 [hbm4b:s5+s26], $0x80, v2, vm1, $0xb8;
	[tilespmem:$0x10400] =	vst v63  }
0xb4: {  	s28 =	simm.s32 @!p0 $0x5400  }
0xb5: {  	[tilespmem:s28], [sflag:$0x2] =	stream.indirect_vreg.gather @!p0 [hbm4b:s6+s26], $0x80, v2, vm1, $0xb8;
	[tilespmem:$0x10400] =	vst v63  }
0xb6: {  	s28 =	simm.s32 @!p0 $0x5C00  }
0xb7: {  	[tilespmem:s28], [sflag:$0x2] =	stream.indirect_vreg.gather @!p0 [hbm4b:s7+s26], $0x80, v2, vm1, $0xb8;
	[tilespmem:$0x10400] =	vst v63  }
0xb8: {  	s28 =	simm.s32 @!p0 $0x6400  }
0xb9: {  	[tilespmem:s28], [sflag:$0x2] =	stream.indirect_vreg.gather @!p0 [hbm4b:s8+s26], $0x80, v2, vm1, $0xb8;
	[tilespmem:$0x10400] =	vst v63  }
0xba: {  	s28 =	simm.s32 @!p0 $0x6C00  }
0xbb: {  	[tilespmem:s28], [sflag:$0x2] =	stream.indirect_vreg.gather @!p0 [hbm4b:s9+s26], $0x80, v2, vm1, $0xb8;
	[tilespmem:$0x10400] =	vst v63  }
0xbc: {  	s28 =	simm.s32 @!p0 $0x7400  }
0xbd: {  	[tilespmem:s28], [sflag:$0x2] =	stream.indirect_vreg.gather @!p0 [hbm4b:s10+s26], $0x80, v2, vm1, $0xb8;
	[tilespmem:$0x10400] =	vst v63  }
0xbe: {  	s29 =	simm.s32 @!p0 $0x7C00;
	s28 =	rddreg [dreg:$0x5]  }
0xbf: {  	[tilespmem:s29], [sflag:$0x2] =	stream.indirect_vreg.gather @!p0 [hbm4b:s11+s26], $0x80, v2, vm1, $0xb8;
	[tilespmem:$0x10400] =	vst v63  }
0xc0: {  	s29 =	sadd.s32 s25, s28;
	s25 =	sadd.s32 $0x2000, s25  }
0xc1: {  	p0 =	sne.s32 s25, $0x40000  }
.Ltmp0:
0xc2: {  	_ = 	snop;
	(pc) =	sbr.rel @p0 .LBB2_2-.Ltmp0, $3  }
0xc3: {  	_ =	sdelay $0x1  }
0xc4: {  	s24 =	sadd.s32 $0x20, s24  }
0xc5: {  	[hbm4b:s29+s3] =	stream.linear.scatter [tilespmem:s15], [sflag:$0x8], $0x4000, $0x38;
	[tilespmem:$0x10400] =	vst v63  }
0xc6: {  	_ =	swait.ge [sflag:s18], $0x4000  }
0xc7: {  	[sflag:s18] =	ssyncset.done $0x0  }
0xc8: {  	[sflag:s18] =	ssyncadd.s32 $0xFFFFC000  }
0xc9: {  	_ =	swait.ge [sflag:s19], $0x4000  }
0xca: {  	[sflag:s19] =	ssyncset.done $0x0  }
0xcb: {  	s23 =	sadd.s32 $0x1, s23;
	[sflag:s19] =	ssyncadd.s32 $0xFFFFC000  }
0xcc: {  	p0 =	sne.s32 s23, s12;
	_ =	swait.ge [sflag:s20], $0x4000  }
.Ltmp1:
0xcd: {  	[sflag:s20] =	ssyncset.done $0x0;
	(pc) =	sbr.rel @p0 .LBB2_1-.Ltmp1, $4  }
0xce: {  	[sflag:s20] =	ssyncadd.s32 $0xFFFFC000  }
0xcf: {  	_ =	swait.ge [sflag:s21], $0x4000  }
0xd0: {  	[sflag:s21] =	ssyncset.done $0x0  }
0xd1: {  	[sflag:s21] =	ssyncadd.s32 $0xFFFFC000  }
0xd2: {  	_ =	sfence.sel $0x180000  }
0xd3: {  	[bflag:$0x0] =	sbarrier.arrive $0xFFFF  }
0xd4: {  	_ =	strace $0x90000047  }
0xd5: {  	s0 =	stileid.u32;
	[bflag:$0x2] =	sbarrier.arrive $0xFFFF  }
0xd6: {  	p0 =	sne.s32 s0, $0x0;
	s0 =	rddreg [dreg:$0x3]  }
0xd7: {  	s0 =	sadd.s32 @!p0 $0x100000, s0  }
0xd8: {  	[sflag:s0] =	ssyncadd.tile.s32 @!p0 $0x1;
	_ =	shalt  }
.Lfunc_end2:
_tile_overlayer_lowered:
.L_overlay_start_2:
0xd9: {  	(tag) =	ssettag $0x2  }
0xda: {  	s0 =	rddreg [dreg:$0x0];
	s2 =	stileid.u32  }
0xdb: {  	s1 =	rddreg [dreg:$0x1];
	p0 =	sne.s32 s2, $0x0  }
0xdc: {  	s3 =	rddreg [dreg:$0x2];
	[bflag:$0x3] =	sbarrier.arrive $0xFFFF;
	s2 =	simm.s32 @!p0 $0x1C09  }
0xdd: {  	[timem:s3], [sflag:s2] =	dma.local @!p0 [hbm:s0], s1  }
0xde: {  	s0 =	simm.s32 @!p0 $0x9  }
0xdf: {  	_ =	swait.ge @!p0 [sflag:s0], s1  }
0xe0: {  	s1 =	ssub.s32 @!p0 $0x0, s1;
	[sflag:s0] =	ssyncset.done @!p0 $0x0  }
0xe1: {  	[sflag:s0] =	ssyncadd.s32 @!p0 s1  }
0xe2: {  	[bflag:$0x3] =	sbarrier.arrive $0xFFFF  }
0xe3: {  	_ =	shalt  }

</sc_bundles>
